<compile_context>
chip_gen: v7x
topology: tpu7x:2x2x1
jax: 0.10.2.dev20260603
libtpu: 0.0.44.dev20260713+nightly
codegen_flags: <defaults>
</compile_context>

<pallas_src>
import functools

import jax
import jax.numpy as jnp
from jax import lax
from jax.experimental import pallas as pl
from jax.experimental.pallas import tpu as pltpu
from jax.experimental.pallas import tpu_sc as plsc

N = 4096
D = 64
K = 512
NCLS = 10

ROWS = 1024
GRID = N // ROWS

NTILES = 16
KPT = K // NTILES
BINS = NCLS * KPT
NVEC = N // 16


def _tc_body(x_ref, c_ref, loss_ref, yp_ref):
    i = pl.program_id(0)
    xb = x_ref[...]
    cb = c_ref[...]
    xc = lax.dot_general(
        xb, cb, (((1,), (1,)), ((), ())),
        preferred_element_type=jnp.float32,
        precision=lax.Precision.HIGHEST,
    )
    xn = jnp.sum(xb * xb, axis=1)
    cn = jnp.sum(cb * cb, axis=1)
    dist = xn[:, None] + cn[None, :] - 2.0 * xc
    minv = jnp.min(dist, axis=1)
    col = lax.broadcasted_iota(jnp.int32, (ROWS, K), 1).astype(jnp.float32)
    yp_ref[0, :, 0] = jnp.min(
        jnp.where(dist == minv[:, None], col, float(K)), axis=1
    ).astype(jnp.int32)

    @pl.when(i == 0)
    def _():
        loss_ref[0, 0] = 0.0

    loss_ref[0, 0] += jnp.sum(minv)


def _sc_hist(yp, y):
    mesh = plsc.VectorSubcoreMesh(core_axis_name="c", subcore_axis_name="s")

    @functools.partial(
        pl.kernel,
        out_type=jax.ShapeDtypeStruct((16,), jnp.float32),
        mesh=mesh,
        compiler_params=pltpu.CompilerParams(needs_layout_passes=False),
        scratch_types=[
            pltpu.VMEM((N,), jnp.int32),
            pltpu.VMEM((N,), jnp.int32),
            pltpu.VMEM((BINS,), jnp.int32),
            pltpu.VMEM((16,), jnp.float32),
            pltpu.SMEM((1,), jnp.int32),
        ],
    )
    def k(yp_hbm, y_hbm, out_hbm, yp_v, y_v, hist_v, acc_v, cnt_s):
        cid = lax.axis_index("c")
        sid = lax.axis_index("s")

        @pl.when((cid == 0) & (sid == 0))
        def _():
            cnt_s[0] = 0

        plsc.subcore_barrier()

        @pl.when(cid == 0)
        def _():
            pltpu.sync_copy(yp_hbm, yp_v)
            pltpu.sync_copy(y_hbm, y_v)
            zeros = jnp.zeros((16,), jnp.int32)
            ones = jnp.ones((16,), jnp.int32)
            lo = sid * KPT

            for j in range(BINS // 16):
                hist_v[pl.ds(j * 16, 16)] = zeros

            def body(i, _):
                ypv = yp_v[pl.ds(i * 16, 16)]
                yv = y_v[pl.ds(i * 16, 16)]
                m = (ypv >= lo) & (ypv < lo + KPT)
                binl = yv * KPT + (ypv - lo)
                binl = jnp.where(m, binl, 0)
                plsc.addupdate_scatter(hist_v, [binl], ones, mask=m)
                return 0

            lax.fori_loop(0, NVEC, body, 0, unroll=4)

            ps = zeros
            for kk in range(KPT // 16):
                mx = zeros
                for c in range(NCLS):
                    mx = jnp.maximum(mx, hist_v[pl.ds(c * KPT + kk * 16, 16)])
                ps = ps + mx
            plsc.fetch_and_add(cnt_s.at[0], jnp.sum(ps), subcore_id=0)

        plsc.subcore_barrier()

        @pl.when((cid == 0) & (sid == 0))
        def _():
            accf = cnt_s[0].astype(jnp.float32) * (1.0 / N)
            acc_v[...] = jnp.full((16,), accf, jnp.float32)
            pltpu.sync_copy(acc_v, out_hbm)

    return k(yp, y)


def kernel(x, y, centers):
    loss2d, yp = pl.pallas_call(
        _tc_body,
        grid=(GRID,),
        in_specs=[
            pl.BlockSpec((ROWS, D), lambda i: (i, 0)),
            pl.BlockSpec((K, D), lambda i: (0, 0)),
        ],
        out_specs=[
            pl.BlockSpec(memory_space=pltpu.SMEM),
            pl.BlockSpec((1, ROWS, 1), lambda i: (i, 0, 0)),
        ],
        out_shape=[
            jax.ShapeDtypeStruct((1, 1), jnp.float32),
            jax.ShapeDtypeStruct((GRID, ROWS, 1), jnp.int32),
        ],
    )(x, centers)
    accv = _sc_hist(yp.reshape(N), y.astype(jnp.int32))
    return loss2d[0, 0], accv[0]

# --- scband reference (transcript-rebuilt; emitter-appended) ---
"""Pipeline reference for scband-kmeans-67980742361662 (READ-ONLY COPY).

The authoritative reference and input builder live on the scoring server;
editing this copy changes nothing except your own understanding.
"""

import jax, jax.numpy as jnp
import numpy as np

N = 4096      # tokens: B=16 * (224/14)^2 = 16*256
D = 64        # code_dim
K = 512       # n_clusters (codebook size)
NCLS = 10     # number of ground-truth label classes


def setup_inputs(seed: int = 0) -> dict:
    key = jax.random.key(seed)
    k1, k2, k3 = jax.random.split(key, 3)
    x = jax.random.normal(k1, (N, D), dtype=jnp.float32)
    y = jax.random.randint(k2, (N,), 0, NCLS, dtype=jnp.int64)
    # learned parameter: centers initialized from random rows of x (as in __init__)
    init_row = jax.random.randint(k3, (K,), 0, N)
    centers = jnp.take(x, init_row, axis=0)
    return {"x": x, "y": y, "centers": centers}


def reference(x, y, centers):
    # caldis (op='l2'): broadcasted pairwise squared L2 distances [N, K]
    diff = x[:, None, :] - centers[None, :, :]
    distance = jnp.sum(diff ** 2, axis=-1)
    # calwei: hard assignment via sort (torch.sort ascending -> index[:,0] is argmin)
    y_p = jnp.argsort(distance, axis=1)[:, 0]
    weight = jax.nn.one_hot(y_p, K, dtype=jnp.float32)  # scatter_ one-hot
    # calloss
    loss = jnp.sum(weight * distance)
    # calacc: for each predicted cluster, majority ground-truth class count.
    # Vectorized equivalent of the per-unique-cluster bincount loop:
    # clusters absent from y_p contribute a zero row, so summing max over all
    # rows equals summing over torch.unique(y_p).
    counts = jnp.zeros((K, NCLS), dtype=jnp.int32).at[y_p, y].add(1)
    correct_ct = jnp.sum(jnp.max(counts, axis=1))
    acc = correct_ct.astype(jnp.float32) / N
    return loss, acc

if __name__ == "__main__":
    import jax
    _d = setup_inputs()
    print(jax.jit(kernel)(*tuple(_d.values())))

</pallas_src>

<mosaic_0001>
#map = affine_map<(d0, d1) -> (0)>
module attributes {stable_mosaic.version = 14 : i64} {
  func.func @k(%arg0: i32, %arg1: i32, %arg2: memref<4096xi32, #tpu.memory_space<hbm>>, %arg3: memref<4096xi32, #tpu.memory_space<hbm>>, %arg4: memref<16xf32, #tpu.memory_space<hbm>>, %arg5: memref<4096xi32, #tpu.memory_space<vmem>>, %arg6: memref<4096xi32, #tpu.memory_space<vmem>>, %arg7: memref<320xi32, #tpu.memory_space<vmem>>, %arg8: memref<16xf32, #tpu.memory_space<vmem>>, %arg9: memref<1xi32, #tpu.memory_space<smem>>) attributes {dimension_semantics = [#tpu.dimension_semantics<core_parallel>, #tpu.dimension_semantics<subcore_parallel>], iteration_bounds = array<i64: 2, 16>, scalar_prefetch = 0 : i64, scratch_operands = 5 : i64, tpu.core_type = #tpu.core_type<sc_vector_subcore>, window_params = [{transform_indices = #map}, {transform_indices = #map}, {transform_indices = #map}]} {
    %eq3A = arith.constant 0 : i32
    %eq3A_0 = arith.cmpi eq, %arg0, %eq3A : i32
    %eq3A_1 = arith.constant 0 : i32
    %eq3A_2 = arith.cmpi eq, %arg1, %eq3A_1 : i32
    %and3A = arith.andi %eq3A_0, %eq3A_2 : i1
    %convert_element_type3A = arith.extui %and3A : i1 to i32
    %cond3A = arith.constant 0 : i32
    %cond3A_3 = arith.cmpi ne, %convert_element_type3A, %cond3A : i32
    scf.if %cond3A_3 {
      %swap3A = arith.constant 0 : i32
      %swap3A_18 = arith.constant 0 : i32
      %swap3A_19 = arith.index_cast %swap3A_18 : i32 to index
      %swap3A_20 = memref.load %arg9[%swap3A_19] : memref<1xi32, #tpu.memory_space<smem>>
      memref.store %swap3A, %arg9[%swap3A_19] : memref<1xi32, #tpu.memory_space<smem>>
    } else {
    }
    %barrier3A = arith.constant 0 : index
    tpu.barrier barrier_id(%barrier3A)
    %eq3A_4 = arith.constant 0 : i32
    %eq3A_5 = arith.cmpi eq, %arg0, %eq3A_4 : i32
    %convert_element_type3A_6 = arith.extui %eq3A_5 : i1 to i32
    %cond3A_7 = arith.constant 0 : i32
    %cond3A_8 = arith.cmpi ne, %convert_element_type3A_6, %cond3A_7 : i32
    scf.if %cond3A_8 {
      "tpu.region"() ({
        %run_scoped3A = tpu.sem_alloc : memref<!tpu.dma_semaphore, #tpu.memory_space<semaphore_mem>>
        tpu.enqueue_dma source(%arg2 : memref<4096xi32, #tpu.memory_space<hbm>>) target(%arg5 : memref<4096xi32, #tpu.memory_space<vmem>>) target_semaphore(%run_scoped3A : memref<!tpu.dma_semaphore, #tpu.memory_space<semaphore_mem>>)
        tpu.wait_dma2 semaphore(%run_scoped3A : memref<!tpu.dma_semaphore, #tpu.memory_space<semaphore_mem>>) src(%arg2 : memref<4096xi32, #tpu.memory_space<hbm>>) dst(%arg5 : memref<4096xi32, #tpu.memory_space<vmem>>)
        tpu.yield
      }) : () -> ()
      "tpu.region"() ({
        %run_scoped3A = tpu.sem_alloc : memref<!tpu.dma_semaphore, #tpu.memory_space<semaphore_mem>>
        tpu.enqueue_dma source(%arg3 : memref<4096xi32, #tpu.memory_space<hbm>>) target(%arg6 : memref<4096xi32, #tpu.memory_space<vmem>>) target_semaphore(%run_scoped3A : memref<!tpu.dma_semaphore, #tpu.memory_space<semaphore_mem>>)
        tpu.wait_dma2 semaphore(%run_scoped3A : memref<!tpu.dma_semaphore, #tpu.memory_space<semaphore_mem>>) src(%arg3 : memref<4096xi32, #tpu.memory_space<hbm>>) dst(%arg6 : memref<4096xi32, #tpu.memory_space<vmem>>)
        tpu.yield
      }) : () -> ()
      %broadcast_in_dim3A = arith.constant 0 : i32
      %broadcast_in_dim3A_18 = vector.broadcast %broadcast_in_dim3A : i32 to vector<16xi32>
      %broadcast_in_dim3A_19 = arith.constant 1 : i32
      %broadcast_in_dim3A_20 = vector.broadcast %broadcast_in_dim3A_19 : i32 to vector<16xi32>
      %mul3A = arith.constant 32 : i32
      %mul3A_21 = arith.muli %arg1, %mul3A : i32
      %swap3A = arith.constant 0 : index
      %swap3A_22 = tpu.vector_load %arg7[%swap3A] {strides = array<i32>} : memref<320xi32, #tpu.memory_space<vmem>>, vector<16xi32>,
      tpu.vector_store %arg7[%swap3A], %broadcast_in_dim3A_18 {strides = array<i32>} : memref<320xi32, #tpu.memory_space<vmem>>, vector<16xi32>,
      %swap3A_23 = arith.constant 16 : index
      %swap3A_24 = tpu.vector_load %arg7[%swap3A_23] {strides = array<i32>} : memref<320xi32, #tpu.memory_space<vmem>>, vector<16xi32>,
      tpu.vector_store %arg7[%swap3A_23], %broadcast_in_dim3A_18 {strides = array<i32>} : memref<320xi32, #tpu.memory_space<vmem>>, vector<16xi32>,
      %swap3A_25 = arith.constant 32 : index
      %swap3A_26 = tpu.vector_load %arg7[%swap3A_25] {strides = array<i32>} : memref<320xi32, #tpu.memory_space<vmem>>, vector<16xi32>,
      tpu.vector_store %arg7[%swap3A_25], %broadcast_in_dim3A_18 {strides = array<i32>} : memref<320xi32, #tpu.memory_space<vmem>>, vector<16xi32>,
      %swap3A_27 = arith.constant 48 : index
      %swap3A_28 = tpu.vector_load %arg7[%swap3A_27] {strides = array<i32>} : memref<320xi32, #tpu.memory_space<vmem>>, vector<16xi32>,
      tpu.vector_store %arg7[%swap3A_27], %broadcast_in_dim3A_18 {strides = array<i32>} : memref<320xi32, #tpu.memory_space<vmem>>, vector<16xi32>,
      %swap3A_29 = arith.constant 64 : index
      %swap3A_30 = tpu.vector_load %arg7[%swap3A_29] {strides = array<i32>} : memref<320xi32, #tpu.memory_space<vmem>>, vector<16xi32>,
      tpu.vector_store %arg7[%swap3A_29], %broadcast_in_dim3A_18 {strides = array<i32>} : memref<320xi32, #tpu.memory_space<vmem>>, vector<16xi32>,
      %swap3A_31 = arith.constant 80 : index
      %swap3A_32 = tpu.vector_load %arg7[%swap3A_31] {strides = array<i32>} : memref<320xi32, #tpu.memory_space<vmem>>, vector<16xi32>,
      tpu.vector_store %arg7[%swap3A_31], %broadcast_in_dim3A_18 {strides = array<i32>} : memref<320xi32, #tpu.memory_space<vmem>>, vector<16xi32>,
      %swap3A_33 = arith.constant 96 : index
      %swap3A_34 = tpu.vector_load %arg7[%swap3A_33] {strides = array<i32>} : memref<320xi32, #tpu.memory_space<vmem>>, vector<16xi32>,
      tpu.vector_store %arg7[%swap3A_33], %broadcast_in_dim3A_18 {strides = array<i32>} : memref<320xi32, #tpu.memory_space<vmem>>, vector<16xi32>,
      %swap3A_35 = arith.constant 112 : index
      %swap3A_36 = tpu.vector_load %arg7[%swap3A_35] {strides = array<i32>} : memref<320xi32, #tpu.memory_space<vmem>>, vector<16xi32>,
      tpu.vector_store %arg7[%swap3A_35], %broadcast_in_dim3A_18 {strides = array<i32>} : memref<320xi32, #tpu.memory_space<vmem>>, vector<16xi32>,
      %swap3A_37 = arith.constant 128 : index
      %swap3A_38 = tpu.vector_load %arg7[%swap3A_37] {strides = array<i32>} : memref<320xi32, #tpu.memory_space<vmem>>, vector<16xi32>,
      tpu.vector_store %arg7[%swap3A_37], %broadcast_in_dim3A_18 {strides = array<i32>} : memref<320xi32, #tpu.memory_space<vmem>>, vector<16xi32>,
      %swap3A_39 = arith.constant 144 : index
      %swap3A_40 = tpu.vector_load %arg7[%swap3A_39] {strides = array<i32>} : memref<320xi32, #tpu.memory_space<vmem>>, vector<16xi32>,
      tpu.vector_store %arg7[%swap3A_39], %broadcast_in_dim3A_18 {strides = array<i32>} : memref<320xi32, #tpu.memory_space<vmem>>, vector<16xi32>,
      %swap3A_41 = arith.constant 160 : index
      %swap3A_42 = tpu.vector_load %arg7[%swap3A_41] {strides = array<i32>} : memref<320xi32, #tpu.memory_space<vmem>>, vector<16xi32>,
      tpu.vector_store %arg7[%swap3A_41], %broadcast_in_dim3A_18 {strides = array<i32>} : memref<320xi32, #tpu.memory_space<vmem>>, vector<16xi32>,
      %swap3A_43 = arith.constant 176 : index
      %swap3A_44 = tpu.vector_load %arg7[%swap3A_43] {strides = array<i32>} : memref<320xi32, #tpu.memory_space<vmem>>, vector<16xi32>,
      tpu.vector_store %arg7[%swap3A_43], %broadcast_in_dim3A_18 {strides = array<i32>} : memref<320xi32, #tpu.memory_space<vmem>>, vector<16xi32>,
      %swap3A_45 = arith.constant 192 : index
      %swap3A_46 = tpu.vector_load %arg7[%swap3A_45] {strides = array<i32>} : memref<320xi32, #tpu.memory_space<vmem>>, vector<16xi32>,
      tpu.vector_store %arg7[%swap3A_45], %broadcast_in_dim3A_18 {strides = array<i32>} : memref<320xi32, #tpu.memory_space<vmem>>, vector<16xi32>,
      %swap3A_47 = arith.constant 208 : index
      %swap3A_48 = tpu.vector_load %arg7[%swap3A_47] {strides = array<i32>} : memref<320xi32, #tpu.memory_space<vmem>>, vector<16xi32>,
      tpu.vector_store %arg7[%swap3A_47], %broadcast_in_dim3A_18 {strides = array<i32>} : memref<320xi32, #tpu.memory_space<vmem>>, vector<16xi32>,
      %swap3A_49 = arith.constant 224 : index
      %swap3A_50 = tpu.vector_load %arg7[%swap3A_49] {strides = array<i32>} : memref<320xi32, #tpu.memory_space<vmem>>, vector<16xi32>,
      tpu.vector_store %arg7[%swap3A_49], %broadcast_in_dim3A_18 {strides = array<i32>} : memref<320xi32, #tpu.memory_space<vmem>>, vector<16xi32>,
      %swap3A_51 = arith.constant 240 : index
      %swap3A_52 = tpu.vector_load %arg7[%swap3A_51] {strides = array<i32>} : memref<320xi32, #tpu.memory_space<vmem>>, vector<16xi32>,
      tpu.vector_store %arg7[%swap3A_51], %broadcast_in_dim3A_18 {strides = array<i32>} : memref<320xi32, #tpu.memory_space<vmem>>, vector<16xi32>,
      %swap3A_53 = arith.constant 256 : index
      %swap3A_54 = tpu.vector_load %arg7[%swap3A_53] {strides = array<i32>} : memref<320xi32, #tpu.memory_space<vmem>>, vector<16xi32>,
      tpu.vector_store %arg7[%swap3A_53], %broadcast_in_dim3A_18 {strides = array<i32>} : memref<320xi32, #tpu.memory_space<vmem>>, vector<16xi32>,
      %swap3A_55 = arith.constant 272 : index
      %swap3A_56 = tpu.vector_load %arg7[%swap3A_55] {strides = array<i32>} : memref<320xi32, #tpu.memory_space<vmem>>, vector<16xi32>,
      tpu.vector_store %arg7[%swap3A_55], %broadcast_in_dim3A_18 {strides = array<i32>} : memref<320xi32, #tpu.memory_space<vmem>>, vector<16xi32>,
      %swap3A_57 = arith.constant 288 : index
      %swap3A_58 = tpu.vector_load %arg7[%swap3A_57] {strides = array<i32>} : memref<320xi32, #tpu.memory_space<vmem>>, vector<16xi32>,
      tpu.vector_store %arg7[%swap3A_57], %broadcast_in_dim3A_18 {strides = array<i32>} : memref<320xi32, #tpu.memory_space<vmem>>, vector<16xi32>,
      %swap3A_59 = arith.constant 304 : index
      %swap3A_60 = tpu.vector_load %arg7[%swap3A_59] {strides = array<i32>} : memref<320xi32, #tpu.memory_space<vmem>>, vector<16xi32>,
      tpu.vector_store %arg7[%swap3A_59], %broadcast_in_dim3A_18 {strides = array<i32>} : memref<320xi32, #tpu.memory_space<vmem>>, vector<16xi32>,
      %scan3A = arith.constant 0 : i32
      %scan3A_61 = arith.constant 0 : i32
      %scan3A_62 = arith.constant 256 : i32
      %scan3A_63 = arith.addi %scan3A_61, %scan3A_62 : i32
      %scan3A_64 = arith.constant 4 : i32
      %scan3A_65 = scf.for %scan3A_131 = %scan3A_61 to %scan3A_63 step %scan3A_64 iter_args(%scan3A_132 = %scan3A) -> (i32)  : i32 {
        %mul3A_133 = arith.constant 16 : i32
        %mul3A_134 = arith.muli %scan3A_131, %mul3A_133 : i32
        %get3A_135 = arith.index_cast %mul3A_134 : i32 to index
        %get3A_136 = tpu.vector_load %arg5[%get3A_135] {strides = array<i32>} : memref<4096xi32, #tpu.memory_space<vmem>>, vector<16xi32>,
        %mul3A_137 = arith.constant 16 : i32
        %mul3A_138 = arith.muli %scan3A_131, %mul3A_137 : i32
        %get3A_139 = arith.index_cast %mul3A_138 : i32 to index
        %get3A_140 = tpu.vector_load %arg6[%get3A_139] {strides = array<i32>} : memref<4096xi32, #tpu.memory_space<vmem>>, vector<16xi32>,
        %ge3A = vector.broadcast %mul3A_21 : i32 to vector<16xi32>
        %ge3A_141 = arith.cmpi sge, %get3A_136, %ge3A : vector<16xi32>
        %add3A_142 = arith.constant 32 : i32
        %add3A_143 = arith.addi %mul3A_21, %add3A_142 : i32
        %lt3A = vector.broadcast %add3A_143 : i32 to vector<16xi32>
        %lt3A_144 = arith.cmpi slt, %get3A_136, %lt3A : vector<16xi32>
        %and3A_145 = arith.andi %ge3A_141, %lt3A_144 : vector<16xi1>
        %mul3A_146 = arith.constant 32 : i32
        %mul3A_147 = vector.broadcast %mul3A_146 : i32 to vector<16xi32>
        %mul3A_148 = arith.muli %get3A_140, %mul3A_147 : vector<16xi32>
        %sub3A = vector.broadcast %mul3A_21 : i32 to vector<16xi32>
        %sub3A_149 = arith.subi %get3A_136, %sub3A : vector<16xi32>
        %add3A_150 = arith.addi %mul3A_148, %sub3A_149 : vector<16xi32>
        %jit3A = arith.constant 0 : i32
        %broadcast_in_dim3A_151 = vector.broadcast %jit3A : i32 to vector<16xi32>
        %select_n3A = arith.select %and3A_145, %add3A_150, %broadcast_in_dim3A_151 : vector<16xi1>, vector<16xi32>
        tpu.vector_store_idx %arg7[%select_n3A], %broadcast_in_dim3A_20 masked %and3A_145 {add = true} : memref<320xi32, #tpu.memory_space<vmem>>[vector<16xi32>], vector<16xi32>, vector<16xi1>
        %scan3A_152 = arith.constant 0 : i32
        %scan3A_153 = arith.constant 1 : i32
        %scan3A_154 = arith.addi %scan3A_131, %scan3A_153 : i32
        %mul3A_155 = arith.constant 16 : i32
        %mul3A_156 = arith.muli %scan3A_154, %mul3A_155 : i32
        %get3A_157 = arith.index_cast %mul3A_156 : i32 to index
        %get3A_158 = tpu.vector_load %arg5[%get3A_157] {strides = array<i32>} : memref<4096xi32, #tpu.memory_space<vmem>>, vector<16xi32>,
        %mul3A_159 = arith.constant 16 : i32
        %mul3A_160 = arith.muli %scan3A_154, %mul3A_159 : i32
        %get3A_161 = arith.index_cast %mul3A_160 : i32 to index
        %get3A_162 = tpu.vector_load %arg6[%get3A_161] {strides = array<i32>} : memref<4096xi32, #tpu.memory_space<vmem>>, vector<16xi32>,
        %ge3A_163 = vector.broadcast %mul3A_21 : i32 to vector<16xi32>
        %ge3A_164 = arith.cmpi sge, %get3A_158, %ge3A_163 : vector<16xi32>
        %add3A_165 = arith.constant 32 : i32
        %add3A_166 = arith.addi %mul3A_21, %add3A_165 : i32
        %lt3A_167 = vector.broadcast %add3A_166 : i32 to vector<16xi32>
        %lt3A_168 = arith.cmpi slt, %get3A_158, %lt3A_167 : vector<16xi32>
        %and3A_169 = arith.andi %ge3A_164, %lt3A_168 : vector<16xi1>
        %mul3A_170 = arith.constant 32 : i32
        %mul3A_171 = vector.broadcast %mul3A_170 : i32 to vector<16xi32>
        %mul3A_172 = arith.muli %get3A_162, %mul3A_171 : vector<16xi32>
        %sub3A_173 = vector.broadcast %mul3A_21 : i32 to vector<16xi32>
        %sub3A_174 = arith.subi %get3A_158, %sub3A_173 : vector<16xi32>
        %add3A_175 = arith.addi %mul3A_172, %sub3A_174 : vector<16xi32>
        %jit3A_176 = arith.constant 0 : i32
        %broadcast_in_dim3A_177 = vector.broadcast %jit3A_176 : i32 to vector<16xi32>
        %select_n3A_178 = arith.select %and3A_169, %add3A_175, %broadcast_in_dim3A_177 : vector<16xi1>, vector<16xi32>
        tpu.vector_store_idx %arg7[%select_n3A_178], %broadcast_in_dim3A_20 masked %and3A_169 {add = true} : memref<320xi32, #tpu.memory_space<vmem>>[vector<16xi32>], vector<16xi32>, vector<16xi1>
        %scan3A_179 = arith.constant 0 : i32
        %scan3A_180 = arith.constant 2 : i32
        %scan3A_181 = arith.addi %scan3A_131, %scan3A_180 : i32
        %mul3A_182 = arith.constant 16 : i32
        %mul3A_183 = arith.muli %scan3A_181, %mul3A_182 : i32
        %get3A_184 = arith.index_cast %mul3A_183 : i32 to index
        %get3A_185 = tpu.vector_load %arg5[%get3A_184] {strides = array<i32>} : memref<4096xi32, #tpu.memory_space<vmem>>, vector<16xi32>,
        %mul3A_186 = arith.constant 16 : i32
        %mul3A_187 = arith.muli %scan3A_181, %mul3A_186 : i32
        %get3A_188 = arith.index_cast %mul3A_187 : i32 to index
        %get3A_189 = tpu.vector_load %arg6[%get3A_188] {strides = array<i32>} : memref<4096xi32, #tpu.memory_space<vmem>>, vector<16xi32>,
        %ge3A_190 = vector.broadcast %mul3A_21 : i32 to vector<16xi32>
        %ge3A_191 = arith.cmpi sge, %get3A_185, %ge3A_190 : vector<16xi32>
        %add3A_192 = arith.constant 32 : i32
        %add3A_193 = arith.addi %mul3A_21, %add3A_192 : i32
        %lt3A_194 = vector.broadcast %add3A_193 : i32 to vector<16xi32>
        %lt3A_195 = arith.cmpi slt, %get3A_185, %lt3A_194 : vector<16xi32>
        %and3A_196 = arith.andi %ge3A_191, %lt3A_195 : vector<16xi1>
        %mul3A_197 = arith.constant 32 : i32
        %mul3A_198 = vector.broadcast %mul3A_197 : i32 to vector<16xi32>
        %mul3A_199 = arith.muli %get3A_189, %mul3A_198 : vector<16xi32>
        %sub3A_200 = vector.broadcast %mul3A_21 : i32 to vector<16xi32>
        %sub3A_201 = arith.subi %get3A_185, %sub3A_200 : vector<16xi32>
        %add3A_202 = arith.addi %mul3A_199, %sub3A_201 : vector<16xi32>
        %jit3A_203 = arith.constant 0 : i32
        %broadcast_in_dim3A_204 = vector.broadcast %jit3A_203 : i32 to vector<16xi32>
        %select_n3A_205 = arith.select %and3A_196, %add3A_202, %broadcast_in_dim3A_204 : vector<16xi1>, vector<16xi32>
        tpu.vector_store_idx %arg7[%select_n3A_205], %broadcast_in_dim3A_20 masked %and3A_196 {add = true} : memref<320xi32, #tpu.memory_space<vmem>>[vector<16xi32>], vector<16xi32>, vector<16xi1>
        %scan3A_206 = arith.constant 0 : i32
        %scan3A_207 = arith.constant 3 : i32
        %scan3A_208 = arith.addi %scan3A_131, %scan3A_207 : i32
        %mul3A_209 = arith.constant 16 : i32
        %mul3A_210 = arith.muli %scan3A_208, %mul3A_209 : i32
        %get3A_211 = arith.index_cast %mul3A_210 : i32 to index
        %get3A_212 = tpu.vector_load %arg5[%get3A_211] {strides = array<i32>} : memref<4096xi32, #tpu.memory_space<vmem>>, vector<16xi32>,
        %mul3A_213 = arith.constant 16 : i32
        %mul3A_214 = arith.muli %scan3A_208, %mul3A_213 : i32
        %get3A_215 = arith.index_cast %mul3A_214 : i32 to index
        %get3A_216 = tpu.vector_load %arg6[%get3A_215] {strides = array<i32>} : memref<4096xi32, #tpu.memory_space<vmem>>, vector<16xi32>,
        %ge3A_217 = vector.broadcast %mul3A_21 : i32 to vector<16xi32>
        %ge3A_218 = arith.cmpi sge, %get3A_212, %ge3A_217 : vector<16xi32>
        %add3A_219 = arith.constant 32 : i32
        %add3A_220 = arith.addi %mul3A_21, %add3A_219 : i32
        %lt3A_221 = vector.broadcast %add3A_220 : i32 to vector<16xi32>
        %lt3A_222 = arith.cmpi slt, %get3A_212, %lt3A_221 : vector<16xi32>
        %and3A_223 = arith.andi %ge3A_218, %lt3A_222 : vector<16xi1>
        %mul3A_224 = arith.constant 32 : i32
        %mul3A_225 = vector.broadcast %mul3A_224 : i32 to vector<16xi32>
        %mul3A_226 = arith.muli %get3A_216, %mul3A_225 : vector<16xi32>
        %sub3A_227 = vector.broadcast %mul3A_21 : i32 to vector<16xi32>
        %sub3A_228 = arith.subi %get3A_212, %sub3A_227 : vector<16xi32>
        %add3A_229 = arith.addi %mul3A_226, %sub3A_228 : vector<16xi32>
        %jit3A_230 = arith.constant 0 : i32
        %broadcast_in_dim3A_231 = vector.broadcast %jit3A_230 : i32 to vector<16xi32>
        %select_n3A_232 = arith.select %and3A_223, %add3A_229, %broadcast_in_dim3A_231 : vector<16xi1>, vector<16xi32>
        tpu.vector_store_idx %arg7[%select_n3A_232], %broadcast_in_dim3A_20 masked %and3A_223 {add = true} : memref<320xi32, #tpu.memory_space<vmem>>[vector<16xi32>], vector<16xi32>, vector<16xi1>
        %scan3A_233 = arith.constant 0 : i32
        scf.yield %scan3A_233 : i32
      }
      %scan3A_66 = arith.constant 256 : i32
      %get3A = arith.constant 0 : index
      %get3A_67 = tpu.vector_load %arg7[%get3A] {strides = array<i32>} : memref<320xi32, #tpu.memory_space<vmem>>, vector<16xi32>,
      %max3A = arith.maxsi %broadcast_in_dim3A_18, %get3A_67 : vector<16xi32>
      %get3A_68 = arith.constant 32 : index
      %get3A_69 = tpu.vector_load %arg7[%get3A_68] {strides = array<i32>} : memref<320xi32, #tpu.memory_space<vmem>>, vector<16xi32>,
      %max3A_70 = arith.maxsi %max3A, %get3A_69 : vector<16xi32>
      %get3A_71 = arith.constant 64 : index
      %get3A_72 = tpu.vector_load %arg7[%get3A_71] {strides = array<i32>} : memref<320xi32, #tpu.memory_space<vmem>>, vector<16xi32>,
      %max3A_73 = arith.maxsi %max3A_70, %get3A_72 : vector<16xi32>
      %get3A_74 = arith.constant 96 : index
      %get3A_75 = tpu.vector_load %arg7[%get3A_74] {strides = array<i32>} : memref<320xi32, #tpu.memory_space<vmem>>, vector<16xi32>,
      %max3A_76 = arith.maxsi %max3A_73, %get3A_75 : vector<16xi32>
      %get3A_77 = arith.constant 128 : index
      %get3A_78 = tpu.vector_load %arg7[%get3A_77] {strides = array<i32>} : memref<320xi32, #tpu.memory_space<vmem>>, vector<16xi32>,
      %max3A_79 = arith.maxsi %max3A_76, %get3A_78 : vector<16xi32>
      %get3A_80 = arith.constant 160 : index
      %get3A_81 = tpu.vector_load %arg7[%get3A_80] {strides = array<i32>} : memref<320xi32, #tpu.memory_space<vmem>>, vector<16xi32>,
      %max3A_82 = arith.maxsi %max3A_79, %get3A_81 : vector<16xi32>
      %get3A_83 = arith.constant 192 : index
      %get3A_84 = tpu.vector_load %arg7[%get3A_83] {strides = array<i32>} : memref<320xi32, #tpu.memory_space<vmem>>, vector<16xi32>,
      %max3A_85 = arith.maxsi %max3A_82, %get3A_84 : vector<16xi32>
      %get3A_86 = arith.constant 224 : index
      %get3A_87 = tpu.vector_load %arg7[%get3A_86] {strides = array<i32>} : memref<320xi32, #tpu.memory_space<vmem>>, vector<16xi32>,
      %max3A_88 = arith.maxsi %max3A_85, %get3A_87 : vector<16xi32>
      %get3A_89 = arith.constant 256 : index
      %get3A_90 = tpu.vector_load %arg7[%get3A_89] {strides = array<i32>} : memref<320xi32, #tpu.memory_space<vmem>>, vector<16xi32>,
      %max3A_91 = arith.maxsi %max3A_88, %get3A_90 : vector<16xi32>
      %get3A_92 = arith.constant 288 : index
      %get3A_93 = tpu.vector_load %arg7[%get3A_92] {strides = array<i32>} : memref<320xi32, #tpu.memory_space<vmem>>, vector<16xi32>,
      %max3A_94 = arith.maxsi %max3A_91, %get3A_93 : vector<16xi32>
      %add3A = arith.addi %broadcast_in_dim3A_18, %max3A_94 : vector<16xi32>
      %get3A_95 = arith.constant 16 : index
      %get3A_96 = tpu.vector_load %arg7[%get3A_95] {strides = array<i32>} : memref<320xi32, #tpu.memory_space<vmem>>, vector<16xi32>,
      %max3A_97 = arith.maxsi %broadcast_in_dim3A_18, %get3A_96 : vector<16xi32>
      %get3A_98 = arith.constant 48 : index
      %get3A_99 = tpu.vector_load %arg7[%get3A_98] {strides = array<i32>} : memref<320xi32, #tpu.memory_space<vmem>>, vector<16xi32>,
      %max3A_100 = arith.maxsi %max3A_97, %get3A_99 : vector<16xi32>
      %get3A_101 = arith.constant 80 : index
      %get3A_102 = tpu.vector_load %arg7[%get3A_101] {strides = array<i32>} : memref<320xi32, #tpu.memory_space<vmem>>, vector<16xi32>,
      %max3A_103 = arith.maxsi %max3A_100, %get3A_102 : vector<16xi32>
      %get3A_104 = arith.constant 112 : index
      %get3A_105 = tpu.vector_load %arg7[%get3A_104] {strides = array<i32>} : memref<320xi32, #tpu.memory_space<vmem>>, vector<16xi32>,
      %max3A_106 = arith.maxsi %max3A_103, %get3A_105 : vector<16xi32>
      %get3A_107 = arith.constant 144 : index
      %get3A_108 = tpu.vector_load %arg7[%get3A_107] {strides = array<i32>} : memref<320xi32, #tpu.memory_space<vmem>>, vector<16xi32>,
      %max3A_109 = arith.maxsi %max3A_106, %get3A_108 : vector<16xi32>
      %get3A_110 = arith.constant 176 : index
      %get3A_111 = tpu.vector_load %arg7[%get3A_110] {strides = array<i32>} : memref<320xi32, #tpu.memory_space<vmem>>, vector<16xi32>,
      %max3A_112 = arith.maxsi %max3A_109, %get3A_111 : vector<16xi32>
      %get3A_113 = arith.constant 208 : index
      %get3A_114 = tpu.vector_load %arg7[%get3A_113] {strides = array<i32>} : memref<320xi32, #tpu.memory_space<vmem>>, vector<16xi32>,
      %max3A_115 = arith.maxsi %max3A_112, %get3A_114 : vector<16xi32>
      %get3A_116 = arith.constant 240 : index
      %get3A_117 = tpu.vector_load %arg7[%get3A_116] {strides = array<i32>} : memref<320xi32, #tpu.memory_space<vmem>>, vector<16xi32>,
      %max3A_118 = arith.maxsi %max3A_115, %get3A_117 : vector<16xi32>
      %get3A_119 = arith.constant 272 : index
      %get3A_120 = tpu.vector_load %arg7[%get3A_119] {strides = array<i32>} : memref<320xi32, #tpu.memory_space<vmem>>, vector<16xi32>,
      %max3A_121 = arith.maxsi %max3A_118, %get3A_120 : vector<16xi32>
      %get3A_122 = arith.constant 304 : index
      %get3A_123 = tpu.vector_load %arg7[%get3A_122] {strides = array<i32>} : memref<320xi32, #tpu.memory_space<vmem>>, vector<16xi32>,
      %max3A_124 = arith.maxsi %max3A_121, %get3A_123 : vector<16xi32>
      %add3A_125 = arith.addi %add3A, %max3A_124 : vector<16xi32>
      %reduce_sum3A = arith.constant true
      %reduce_sum3A_126 = vector.broadcast %reduce_sum3A : i1 to vector<16xi1>
      %reduce_sum3A_127 = tpu.scan <sum>, %add3A_125 masked %reduce_sum3A_126 : vector<16xi32>, vector<16xi1> -> vector<16xi32>
      %reduce_sum3A_128 = vector.extract %reduce_sum3A_127[15] : i32 from vector<16xi32>
      %sc_fetch_and_add3A = arith.constant 0 : i32
      %sc_fetch_and_add3A_129 = arith.constant 0 : i32
      %sc_fetch_and_add3A_130 = tpu.fetch_and_add_sync %arg9[%sc_fetch_and_add3A], %reduce_sum3A_128, %sc_fetch_and_add3A_129 : memref<1xi32, #tpu.memory_space<smem>>, i32 -> i32
    } else {
    }
    %barrier3A_9 = arith.constant 0 : index
    tpu.barrier barrier_id(%barrier3A_9)
    %eq3A_10 = arith.constant 0 : i32
    %eq3A_11 = arith.cmpi eq, %arg0, %eq3A_10 : i32
    %eq3A_12 = arith.constant 0 : i32
    %eq3A_13 = arith.cmpi eq, %arg1, %eq3A_12 : i32
    %and3A_14 = arith.andi %eq3A_11, %eq3A_13 : i1
    %convert_element_type3A_15 = arith.extui %and3A_14 : i1 to i32
    %cond3A_16 = arith.constant 0 : i32
    %cond3A_17 = arith.cmpi ne, %convert_element_type3A_15, %cond3A_16 : i32
    scf.if %cond3A_17 {
      %get3A = arith.constant 0 : i32
      %get3A_18 = arith.index_cast %get3A : i32 to index
      %get3A_19 = memref.load %arg9[%get3A_18] : memref<1xi32, #tpu.memory_space<smem>>
      %convert_element_type3A_20 = arith.sitofp %get3A_19 : i32 to f32
      %mul3A = arith.constant 2.44140625E-4 : f32
      %mul3A_21 = arith.mulf %convert_element_type3A_20, %mul3A : f32
      %broadcast_in_dim3A = vector.broadcast %mul3A_21 : f32 to vector<16xf32>
      %swap3A = arith.constant 0 : index
      %swap3A_22 = tpu.vector_load %arg8[%swap3A] {strides = array<i32>} : memref<16xf32, #tpu.memory_space<vmem>>, vector<16xf32>,
      tpu.vector_store %arg8[%swap3A], %broadcast_in_dim3A {strides = array<i32>} : memref<16xf32, #tpu.memory_space<vmem>>, vector<16xf32>,
      "tpu.region"() ({
        %run_scoped3A = tpu.sem_alloc : memref<!tpu.dma_semaphore, #tpu.memory_space<semaphore_mem>>
        tpu.enqueue_dma source(%arg8 : memref<16xf32, #tpu.memory_space<vmem>>) target(%arg4 : memref<16xf32, #tpu.memory_space<hbm>>) target_semaphore(%run_scoped3A : memref<!tpu.dma_semaphore, #tpu.memory_space<semaphore_mem>>)
        tpu.wait_dma2 semaphore(%run_scoped3A : memref<!tpu.dma_semaphore, #tpu.memory_space<semaphore_mem>>) src(%arg8 : memref<16xf32, #tpu.memory_space<vmem>>) dst(%arg4 : memref<16xf32, #tpu.memory_space<hbm>>)
        tpu.yield
      }) : () -> ()
    } else {
    }
    return
  }
}

module attributes {stable_mosaic.version = 14 : i64} {
  func.func @_tc_body(%arg0: i32, %arg1: memref<1024x64xf32, #tpu.memory_space<vmem>>, %arg2: memref<512x64xf32, #tpu.memory_space<vmem>>, %arg3: memref<1x1xf32, #tpu.memory_space<smem>>, %arg4: memref<1x1024x1xi32, #tpu.memory_space<vmem>>) attributes {dimension_semantics = [#tpu.dimension_semantics<arbitrary>], iteration_bounds = array<i64: 4>, scalar_prefetch = 0 : i64, scratch_operands = 0 : i64, tpu.core_type = #tpu.core_type<tc>, window_params = [{transform_indices = @transform_0, window_bounds = array<i64: 1024, 64>}, {pipeline_mode = #tpu.pipeline_mode<synchronous>, transform_indices = @transform_1, window_bounds = array<i64: 512, 64>}, {transform_indices = @transform_2, window_bounds = array<i64: 1, 1>}, {transform_indices = @transform_3, window_bounds = array<i64: 1, 1024, 1>}]} {
    %get3A = arith.constant 0 : index
    %get3A_0 = arith.constant 0 : index
    %get3A_1 = vector.load %arg1[%get3A, %get3A_0] : memref<1024x64xf32, #tpu.memory_space<vmem>>, vector<1024x64xf32>
    %get3A_2 = arith.constant 0 : index
    %get3A_3 = arith.constant 0 : index
    %get3A_4 = vector.load %arg2[%get3A_2, %get3A_3] : memref<512x64xf32, #tpu.memory_space<vmem>>, vector<512x64xf32>
    %dot_general3A = arith.constant dense<0.000000e+00> : vector<1024x512xf32>
    %dot_general3A_5 = tpu.matmul %get3A_1, %get3A_4, %dot_general3A {dimension_numbers = #tpu.dot_dimension_numbers<[1], [1], [0], [0], [0, 0, 1, 0], [], []>, precision = #tpu.contract_precision<fp32>, transpose_lhs_hint = false} : vector<1024x64xf32>, vector<512x64xf32>, vector<1024x512xf32> -> vector<1024x512xf32>
    %mul3A = arith.mulf %get3A_1, %get3A_1 : vector<1024x64xf32>
    %reduce_sum3A = arith.constant dense<0.000000e+00> : vector<1024xf32>
    %reduce_sum3A_6 = vector.multi_reduction <add>, %mul3A, %reduce_sum3A [1] : vector<1024x64xf32> to vector<1024xf32>
    %mul3A_7 = arith.mulf %get3A_4, %get3A_4 : vector<512x64xf32>
    %reduce_sum3A_8 = arith.constant dense<0.000000e+00> : vector<512xf32>
    %reduce_sum3A_9 = vector.multi_reduction <add>, %mul3A_7, %reduce_sum3A_8 [1] : vector<512x64xf32> to vector<512xf32>
    %broadcast_in_dim3A = vector.shape_cast %reduce_sum3A_6 : vector<1024xf32> to vector<1024x1xf32>
    %broadcast_in_dim3A_10 = vector.shape_cast %reduce_sum3A_9 : vector<512xf32> to vector<1x512xf32>
    %add3A = vector.broadcast %broadcast_in_dim3A : vector<1024x1xf32> to vector<1024x512xf32>
    %add3A_11 = vector.broadcast %broadcast_in_dim3A_10 : vector<1x512xf32> to vector<1024x512xf32>
    %add3A_12 = arith.addf %add3A, %add3A_11 : vector<1024x512xf32>
    %mul3A_13 = arith.constant 2.000000e+00 : f32
    %mul3A_14 = vector.broadcast %mul3A_13 : f32 to vector<1024x512xf32>
    %mul3A_15 = arith.mulf %mul3A_14, %dot_general3A_5 : vector<1024x512xf32>
    %sub3A = arith.subf %add3A_12, %mul3A_15 : vector<1024x512xf32>
    %reduce_min3A = arith.constant dense<0x7F800000> : vector<1024xf32>
    %reduce_min3A_16 = vector.multi_reduction <minimumf>, %sub3A, %reduce_min3A [1] : vector<1024x512xf32> to vector<1024xf32>
    %iota3A = tpu.iota {dimensions = array<i32: 1>} : vector<1024x512xi32>
    %convert_element_type3A = arith.sitofp %iota3A : vector<1024x512xi32> to vector<1024x512xf32>
    %broadcast_in_dim3A_17 = vector.shape_cast %reduce_min3A_16 : vector<1024xf32> to vector<1024x1xf32>
    %eq3A = vector.broadcast %broadcast_in_dim3A_17 : vector<1024x1xf32> to vector<1024x512xf32>
    %eq3A_18 = arith.cmpf oeq, %sub3A, %eq3A : vector<1024x512xf32>
    %jit3A = arith.constant 5.120000e+02 : f32
    %broadcast_in_dim3A_19 = vector.broadcast %jit3A : f32 to vector<1024x512xf32>
    %select_n3A = arith.select %eq3A_18, %convert_element_type3A, %broadcast_in_dim3A_19 : vector<1024x512xi1>, vector<1024x512xf32>
    %reduce_min3A_20 = arith.constant dense<0x7F800000> : vector<1024xf32>
    %reduce_min3A_21 = vector.multi_reduction <minimumf>, %select_n3A, %reduce_min3A_20 [1] : vector<1024x512xf32> to vector<1024xf32>
    %convert_element_type3A_22 = arith.fptosi %reduce_min3A_21 : vector<1024xf32> to vector<1024xi32>
    %swap3A = arith.constant 0 : index
    %swap3A_23 = arith.constant 0 : index
    %swap3A_24 = arith.constant 0 : index
    %swap3A_25 = vector.load %arg4[%swap3A, %swap3A_23, %swap3A_24] : memref<1x1024x1xi32, #tpu.memory_space<vmem>>, vector<1x1024x1xi32>
    %swap3A_26 = vector.shape_cast %swap3A_25 : vector<1x1024x1xi32> to vector<1024xi32>
    %swap3A_27 = vector.shape_cast %convert_element_type3A_22 : vector<1024xi32> to vector<1x1024x1xi32>
    tpu.vector_store %arg4[%swap3A, %swap3A_23, %swap3A_24], %swap3A_27 {strides = array<i32>} : memref<1x1024x1xi32, #tpu.memory_space<vmem>>, vector<1x1024x1xi32>,
    %eq3A_28 = arith.constant 0 : i32
    %eq3A_29 = arith.cmpi eq, %arg0, %eq3A_28 : i32
    %convert_element_type3A_30 = arith.extui %eq3A_29 : i1 to i32
    %cond3A = arith.constant 0 : i32
    %cond3A_31 = arith.cmpi ne, %convert_element_type3A_30, %cond3A : i32
    scf.if %cond3A_31 {
      %swap3A_44 = arith.constant 0.000000e+00 : f32
      %swap3A_45 = arith.constant 0 : index
      %swap3A_46 = arith.constant 0 : index
      %swap3A_47 = memref.load %arg3[%swap3A_45, %swap3A_46] : memref<1x1xf32, #tpu.memory_space<smem>>
      memref.store %swap3A_44, %arg3[%swap3A_45, %swap3A_46] : memref<1x1xf32, #tpu.memory_space<smem>>
    } else {
    }
    %get3A_32 = arith.constant 0 : index
    %get3A_33 = arith.constant 0 : index
    %get3A_34 = memref.load %arg3[%get3A_32, %get3A_33] : memref<1x1xf32, #tpu.memory_space<smem>>
    %reduce_sum3A_35 = vector.shape_cast %reduce_min3A_16 : vector<1024xf32> to vector<1x1024xf32>
    %reduce_sum3A_36 = arith.constant dense<0.000000e+00> : vector<1xf32>
    %reduce_sum3A_37 = vector.multi_reduction <add>, %reduce_sum3A_35, %reduce_sum3A_36 [1] : vector<1x1024xf32> to vector<1xf32>
    %reduce_sum3A_38 = vector.shape_cast %reduce_sum3A_37 : vector<1xf32> to vector<1x1xf32>
    %reduce_sum3A_39 = vector.extract %reduce_sum3A_38[0, 0] : f32 from vector<1x1xf32>
    %add3A_40 = arith.addf %get3A_34, %reduce_sum3A_39 : f32
    %swap3A_41 = arith.constant 0 : index
    %swap3A_42 = arith.constant 0 : index
    %swap3A_43 = memref.load %arg3[%swap3A_41, %swap3A_42] : memref<1x1xf32, #tpu.memory_space<smem>>
    memref.store %add3A_40, %arg3[%swap3A_41, %swap3A_42] : memref<1x1xf32, #tpu.memory_space<smem>>
    return
  }
  func.func @transform_0(%arg0: i32) -> (i32, i32) {
    %c0_i32 = arith.constant 0 : i32
    %c0_i32_0 = arith.constant 0 : i32
    return %arg0, %c0_i32 : i32, i32
  }
  func.func @transform_1(%arg0: i32) -> (i32, i32) {
    %c0_i32 = arith.constant 0 : i32
    %c0_i32_0 = arith.constant 0 : i32
    %c0_i32_1 = arith.constant 0 : i32
    return %c0_i32, %c0_i32_0 : i32, i32
  }
  func.func @transform_2(%arg0: i32) -> (i32, i32) {
    %c0_i32 = arith.constant 0 : i32
    %c0_i32_0 = arith.constant 0 : i32
    %c0_i32_1 = arith.constant 0 : i32
    return %c0_i32, %c0_i32_0 : i32, i32
  }
  func.func @transform_3(%arg0: i32) -> (i32, i32, i32) {
    %c0_i32 = arith.constant 0 : i32
    %c0_i32_0 = arith.constant 0 : i32
    %c0_i32_1 = arith.constant 0 : i32
    return %arg0, %c0_i32, %c0_i32_0 : i32, i32, i32
  }
}

</mosaic_0001>

<sc_bundles>
// kernel: kernel.4.cloned.1.call-start
scs
__scs_entry_jumppad:
0x0: {  	(pc) =	sbr.rel $0x88, $3  }
0x1: {  	(tag) =	ssettag $0x0;
	lr =	simm.s32 $0x1  }
0x2: {  	[smem:$0x3F9E] =	sst lr;
	_ =	strace $0xD0000000  }
0x3: {  	_ = 	snop  }
0x4: {  	_ = 	snop  }
0x5: {  	_ = 	snop  }
0x6: {  	_ = 	snop  }
0x7: {  	_ = 	snop  }
__scs_overlays_trampoline_lowered:
0x8: {  	[smem:$0x3FAD] =	sst s0  }
0x9: {  	[smem:$0x3FAE] =	sst s1  }
0xa: {  	[smem:$0x3FAF] =	sst s2  }
0xb: {  	[smem:$0x3FB0] =	sst s3  }
0xc: {  	[smem:$0x3FB1] =	sst s4  }
0xd: {  	[smem:$0x3FB2] =	sst s5  }
0xe: {  	[smem:$0x3FB3] =	sst s6  }
0xf: {  	[smem:$0x3FB4] =	sst s7  }
0x10: {  	[smem:$0x3FB5] =	sst s8  }
0x11: {  	[smem:$0x3FB6] =	sst s9;
	s0 =	simm.s32 @!p0 $0x0  }
0x12: {  	s1 =	sld [smem:$0x3F9C];
	s0 =	simm.s32 @p0 $0x1  }
0x13: {  	[smem:$0x3FB7] =	sst s0;
	s0 =	simm.s32 @!p1 $0x0  }
0x14: {  	s2 =	sld [smem:$0x3F9B];
	s0 =	simm.s32 @p1 $0x1  }
0x15: {  	[smem:$0x3FB8] =	sst s0;
	s0 =	simm.s32 @!p2 $0x0  }
0x16: {  	s3 =	sld [smem:$0x3FDB];
	s0 =	simm.s32 @p2 $0x1  }
0x17: {  	s4 =	simm.s32 $0x1BF5;
	[smem:$0x3FBA] =	sst s0  }
0x18: {  	s0 =	sld [smem:$0x3F9D];
	_ =	swait.ge [sflag:s4], $0x0  }
0x19: {  	s7 =	sld [smem:$0x3F9E]  }
0x1a: {  	s8 =	sadd.s32 $0xFFFFE003, lr  }
0x1b: {  	s9 =	sadd.s32 $0xFFFFFEF7, lr;
	s5 =	simm.s32 $0xFFFFFFFF;
	p2 =	slt.u32 s8, $0xFFFFF086  }
0x1c: {  	p1 =	slt.u32 s9, $0xF7A;
	s5 =	simm.s32 @!p2 $0x0  }
0x1d: {  	s5 =	simm.s32 @p1 $0x1;
	p0 =	seq.s32 s7, s2  }
0x1e: {  	s7 =	smul.u32 @!p0 $0xF7A, s2;
	p2 =	seq.s32 @!p0 s5, $0x0  }
0x1f: {  	s9 =	smul.u32 $0xF7A, s1;
	s8 =	simm.s32 @!p0 $0x1BF5;
	p2 =	por !p2, p0  }
0x20: {  	[sflag:s8] =	ssyncset.s32 @!p0 $0xFFFFF086;
	s6 =	sadd.s32 @!p0 s3, s7;
	s7 =	simm.s32 @!p0 $0x108  }
0x21: {  	s3 =	sadd.s32 s3, s9;
	s6 =	sadd.s32 @!p0 $0x88, s6;
	s7 =	simm.s32 @p2 $0x1082  }
0x22: {  	[simem:s7], [sflag:s8] =	dma.local @!p0 [hbm:s6], $0xF7A  }
0x23: {  	s9 =	sor.u32 $0xD0000000, s2;
	s6 =	simm.s32 $0x108;
	_ =	swait.ge @!p0 [sflag:s8], $0x0  }
0x24: {  	s3 =	sadd.s32 $0x88, s3;
	s6 =	simm.s32 @!p1 $0x1082;
	[sflag:s4] =	ssyncset.s32 $0xFFFFF086  }
0x25: {  	[simem:s6], [sflag:s4] =	dma.local [hbm:s3], $0xF7A  }
0x26: {  	[smem:$0x3F9E] =	sst s1;
	(tag) =	ssettag s2;
	_ =	strace s9  }
0x27: {  	s1 =	sld [smem:$0x3FAE]  }
0x28: {  	s2 =	sld [smem:$0x3FAF]  }
0x29: {  	s4 =	sld [smem:$0x3FB1]  }
0x2a: {  	p0 =	seq.s32 s5, $0x0;
	s5 =	sld [smem:$0x3FB2]  }
0x2b: {  	s6 =	sld [smem:$0x3FB3]  }
0x2c: {  	s7 =	sld [smem:$0x3FB4]  }
0x2d: {  	s3 =	simm.s32 $0x108;
	s8 =	sld [smem:$0x3FB5]  }
0x2e: {  	s3 =	simm.s32 @!p0 $0x1082;
	s9 =	sld [smem:$0x3FB6]  }
0x2f: {  	lr =	sadd.s32 s0, s3;
	s0 =	sld [smem:$0x3FAD]  }
0x30: {  	s3 =	sld [smem:$0x3FB0]  }
0x31: {  	[smem:$0x3FB9] =	sst s10  }
0x32: {  	s10 =	sld [smem:$0x3FB7];
	_ =	sdelay $0x3  }
0x33: {  	p0 =	seq.s32 s10, $0x1;
	s10 =	sld [smem:$0x3FB9];
	_ =	sdelay $0x3  }
0x34: {  	[smem:$0x3FB9] =	sst s10  }
0x35: {  	s10 =	sld [smem:$0x3FB8];
	_ =	sdelay $0x3  }
0x36: {  	p1 =	seq.s32 s10, $0x1;
	s10 =	sld [smem:$0x3FB9];
	_ =	sdelay $0x3  }
0x37: {  	[smem:$0x3FB9] =	sst s10  }
0x38: {  	s10 =	sld [smem:$0x3FBA]  }
0x39: {  	_ = 	snop;
	(pc) =	sbr.ind lr, $3  }
0x3a: {  	_ = 	snop  }
0x3b: {  	_ = 	snop  }
0x3c: {  	p2 =	seq.s32 s10, $0x1;
	s10 =	sld [smem:$0x3FB9]  }
0x3d: {  	_ =	shalt  }
0x3e: {  	_ =	shalt  }
0x3f: {  	_ =	shalt  }
0x40: {  	_ =	shalt  }
0x41: {  	_ =	shalt  }
0x42: {  	_ =	shalt  }
0x43: {  	_ =	shalt  }
0x44: {  	_ =	shalt  }
0x45: {  	_ =	shalt  }
0x46: {  	_ =	shalt  }
0x47: {  	_ =	shalt  }
0x48: {  	_ =	shalt  }
0x49: {  	_ =	shalt  }
0x4a: {  	_ =	shalt  }
0x4b: {  	_ =	shalt  }
0x4c: {  	_ =	shalt  }
0x4d: {  	_ =	shalt  }
0x4e: {  	_ =	shalt  }
0x4f: {  	_ =	shalt  }
0x50: {  	_ =	shalt  }
0x51: {  	_ =	shalt  }
0x52: {  	_ =	shalt  }
0x53: {  	_ =	shalt  }
0x54: {  	_ =	shalt  }
0x55: {  	_ =	shalt  }
0x56: {  	_ =	shalt  }
0x57: {  	_ =	shalt  }
0x58: {  	_ =	shalt  }
0x59: {  	_ =	shalt  }
0x5a: {  	_ =	shalt  }
0x5b: {  	_ =	shalt  }
0x5c: {  	_ =	shalt  }
0x5d: {  	_ =	shalt  }
0x5e: {  	_ =	shalt  }
0x5f: {  	_ =	shalt  }
0x60: {  	_ =	shalt  }
0x61: {  	_ =	shalt  }
0x62: {  	_ =	shalt  }
0x63: {  	_ =	shalt  }
0x64: {  	_ =	shalt  }
0x65: {  	_ =	shalt  }
0x66: {  	_ =	shalt  }
0x67: {  	_ =	shalt  }
0x68: {  	_ =	shalt  }
0x69: {  	_ =	shalt  }
0x6a: {  	_ =	shalt  }
0x6b: {  	_ =	shalt  }
0x6c: {  	_ =	shalt  }
0x6d: {  	_ =	shalt  }
0x6e: {  	_ =	shalt  }
0x6f: {  	_ =	shalt  }
0x70: {  	_ =	shalt  }
0x71: {  	_ =	shalt  }
0x72: {  	_ =	shalt  }
0x73: {  	_ =	shalt  }
0x74: {  	_ =	shalt  }
0x75: {  	_ =	shalt  }
0x76: {  	_ =	shalt  }
0x77: {  	_ =	shalt  }
0x78: {  	_ =	shalt  }
0x79: {  	_ =	shalt  }
0x7a: {  	_ =	shalt  }
0x7b: {  	_ =	shalt  }
0x7c: {  	_ =	shalt  }
0x7d: {  	_ =	shalt  }
0x7e: {  	_ =	shalt  }
0x7f: {  	_ =	shalt  }
0x80: {  	_ =	shalt  }
0x81: {  	_ =	shalt  }
0x82: {  	_ =	shalt  }
0x83: {  	_ =	shalt  }
0x84: {  	_ =	shalt  }
0x85: {  	_ =	shalt  }
0x86: {  	_ =	shalt  }
0x87: {  	_ =	shalt  }
.Lfunc_end0:
.L_simem_size_0:
called_computation_lowered:
.L_overlay_start_0:
0x88: {  	s2 =	sld [smem:$0x3FD9]  }
0x89: {  	s3 =	sld [smem:$0x3FFE];
	_ =	sdelay $0x1  }
0x8a: {  	s1 =	srdreg.scid  }
0x8b: {  	s0 =	sand.u32 $0x1, s1  }
0x8c: {  	s14 =	sshll.u32 s0, $0xA;
	s2 =	sadd.s32 s3, s2  }
0x8d: {  	s2 =	sadd.s32 s2, s14  }
0x8e: {  	[smem:$0x3FC5] =	sst s2  }
0x8f: {  	_ = 	snop  }
0x90: {  	s2 =	sld [smem:$0x3FD0];
	_ =	sdelay $0x2  }
0x91: {  	s4 =	simm.s32 $0xA;
	s5 =	simm.s32 $0x10;
	s15 =	sld [smem:$0x3FC8]  }
0x92: {  	[smem:s5], [sflag:s4] =	dma.local [hbm:s2], $0x1  }
0x93: {  	_ =	swait.eq [sflag:s4], $0x1  }
0x94: {  	[sflag:s4] =	ssyncset.done $0x0  }
0x95: {  	[sflag:s4] =	ssyncadd.s32 $0xFFFFFFFF  }
0x96: {  	s16 =	sld [smem:$0x11];
	(tm) =	ssettm $0x1  }
0x97: {  	s17 =	sld [smem:$0x3FFB];
	_ =	sdelay $0x3  }
0x98: {  	_ =	strace s17  }
0x99: {  	s4 =	sld [smem:$0x3FFC];
	_ =	sdelay $0x3  }
0x9a: {  	_ =	strace s4  }
0x9b: {  	s4 =	sld [smem:$0x3FFD];
	_ =	sdelay $0x3  }
0x9c: {  	_ =	strace s4  }
0x9d: {  	_ =	strace $0x8FFFFFFF  }
0x9e: {  	s18 =	sld [smem:$0x3FDB];
	_ =	sdelay $0x1  }
0x9f: {  	s19 =	simm.s32 $_scs_section_size  }
0xa0: {  	s6 =	simm.s32 $_size__tile_overlayer_lowered;
	s7 =	simm.s32 $_tile_overlayer_lowered  }
0xa1: {  	s22 =	simm.s32 $0x1BFF;
	s21 =	sshll.u32 s7, $0x1;
	s4 =	sadd.s32 s19, s18  }
0xa2: {  	s8 =	simm.s32 $0x0;
	s20 =	sshll.u32 s6, $0x1;
	s6 =	sadd.s32 s21, s4  }
0xa3: {  	[timem:s8], [sflag:s22] =	dma.local [hbm:s6], s20  }
0xa4: {  	_ =	swait.ge [sflag:s22], s20  }
0xa5: {  	s5 =	ssub.s32 $0x0, s20;
	[sflag:s22] =	ssyncset.done $0x0  }
0xa6: {  	[sflag:s22] =	ssyncadd.s32 s5;
	_ =	sdelay $0x1  }
0xa7: {  	s23 =	simm.s32 $0x1B8B  }
0xa8: {  	_ =	swait.ge [sflag:s23], $0x1  }
0xa9: {  	[sflag:s23] =	ssyncset.done $0x0  }
0xaa: {  	s25 =	simm.s32 $0x1B8E;
	s24 =	sld [smem:$0x3FFE];
	[sflag:s23] =	ssyncadd.s32 $0xFFFFFFFF  }
0xab: {  	s26 =	simm.s32 $execute0_lowered;
	[smem:$0x3FD2] =	sst s25  }
0xac: {  	s6 =	sshll.u32 s26, $0x1;
	_ =	strace $0x80000046;
	[dreg:$0x1] =	wrdreg $0xFFFFFFFF  }
0xad: {  	s28 =	simm.s32 $_size_execute0_lowered;
	s4 =	sadd.s32 s4, s6;
	[dreg:$0x0] =	wrdreg $0x0  }
0xae: {  	s6 =	sshll.u32 s28, $0x1;
	[dreg:$0x2] =	wrdreg s4  }
0xaf: {  	[dreg:$0x3] =	wrdreg s6  }
0xb0: {  	[dreg:$0x4] =	wrdreg $0xC0  }
0xb1: {  	_ =	task [dreg:s8], $0x5FFFF  }
0xb2: {  	[dreg:$0x1] =	wrdreg $0xFFFFFFFF  }
0xb3: {  	[dreg:$0x0] =	wrdreg $0x60  }
0xb4: {  	[dreg:$0x2] =	wrdreg s24  }
0xb5: {  	[dreg:$0x3] =	wrdreg s15  }
0xb6: {  	[dreg:$0x4] =	wrdreg s16  }
0xb7: {  	[dreg:$0x5] =	wrdreg $0x9  }
0xb8: {  	_ =	task.clear_ibuf [dreg:s8], $0x6FFFF;
	_ =	strace $0x90000046  }
0xb9: {  	s29 =	simm.s32 $0x9;
	_ =	strace $0x80000048  }
0xba: {  	_ =	swait.ge [sflag:s29], $0x1  }
0xbb: {  	[sflag:s29] =	ssyncadd.s32 $0xFFFFFFFF  }
0xbc: {  	_ =	strace $0x90000048  }
0xbd: {  	_ =	sfence  }
0xbe: {  	s30 =	sld [smem:$0x0];
	_ =	sdelay $0x2  }
0xbf: {  	s31 =	sshll.u32 s1, $0xD;
	s1 =	sshrl.u32 s1, $0x2  }
0xc0: {  	s3 =	sand.u32 $0x4000, s31;
	s1 =	sadd.s32 s1, s30  }
0xc1: {  	s0 =	sor.u32 s3, s0;
	s1 =	sshll.u32 s1, $0x11  }
0xc2: {  	s0 =	sor.u32 s1, s0  }
0xc3: {  	s0 =	sadd.s32 $0x8F2B, s0  }
0xc4: {  	[sflag:s0] =	ssyncadd.remote.s32 $0x1  }
0xc5: {  	_ =	sfence.sel $0xFFFF  }
0xc6: {  	[dreg:$0x0] =	wrdreg $0xFFFFFFFF;
	(pc) =	sbr.abs _section_cstart, $3  }
0xc7: {  	[dreg:$0x1] =	wrdreg $0xFFFFFFFF  }
0xc8: {  	_ =	task.clear_ibuf [dreg:s8], $0x2FFFF;
	_ =	strace $0x9FFFFFFF  }
0xc9: {  	(tm) =	ssettm $0x7FFFFFFF  }
tec
execute0_lowered:
.L_overlay_start_1:
0x0: {  	(tag) =	ssettag $0x1  }
0x1: {  	s4 =	rddreg [dreg:$0x0]  }
0x2: {  	s1 =	rddreg [dreg:$0x1]  }
0x3: {  	s2 =	rddreg [dreg:$0x2];
	s3 =	srdreg.scid  }
0x4: {  	s0 =	rddreg [dreg:$0x3];
	_ =	strace $0x80000047;
	s11 =	simm.s32 $0x0  }
0x5: {  	s7 =	sand.u32 $0x1, s3;
	s3 =	stileid.u32;
	s4 =	sadd.s32 $0x200, s4  }
.Ltmp0:
0x6: {  	s5 =	ssub.s32 $0x2, s7;
	s8 =	sshll.u32 s3, $0x5;
	(pc) =	sbr.rel .LBB2_1-.Ltmp0, $4  }
0x7: {  	s9 =	sor.u32 s3, s7;
	p1 =	sne.s32 s7, $0x0;
	s7 =	simm.s32 $0x2  }
0x8: {  	s6 =	sshrl.u32 s5, $0x1;
	s10 =	sadd.s32 $0x20, s8;
	p0 =	sne.s32 s9, $0x0  }
0x9: {  	v0 =	vmov s8;
	s8 =	simm.s32 $0x1000;
	s9 =	simm.s32 $0x2000;
	s5 =	ssub.s32 s5, s6  }
0xa: {  	v2 =	vimm.s32 $0x0;
	v3 =	vimm.s32 $0x1;
	s6 =	simm.s32 $0x0;
	v1 =	vmov s10;
	s10 =	simm.s32 $0x1;
	s5 =	smax.u32 s5, $0x1  }
.LBB2_5:
0xb: {  	[bflag:$0x0] =	sbarrier.arrive $0xFFFF  }
0xc: {  	s13 =	sld @!p0 [smem:$0x0];
	_ =	sdelay $0x2  }
0xd: {  	s13 =	scvt.s32.f32 @!p0 s13;
	_ =	sdelay $0x1  }
0xe: {  	s13 =	smul.f32 @!p0 $2.441406250e-04, s13;
	_ =	sdelay $0x1  }
0xf: {  	s11 =	sadd.s32 $0x1, s11;
	v4 =	vmov @!p0 s13  }
0x10: {  	p2 =	sne.s32 s11, s5;
	s13 =	simm.s32 @!p0 $0x2180;
	[tilespmem:$0x2180] =	vst @!p0 v4  }
0x11: {  	[hbm4b:s2+s12] =	stream.linear.scatter @!p0 [tilespmem:s13], [sflag:$0x2], $0x80, $0x38;
	[tilespmem:$0x2200] =	vst v63  }
.Ltmp1:
0x12: {  	_ = 	snop;
	(pc) =	sbr.rel @!p2 .LBB2_6-.Ltmp1, $4  }
0x13: {  	s12 =	simm.s32 @!p0 $0x2  }
0x14: {  	_ =	swait.ge @!p0 [sflag:s12], $0x80  }
0x15: {  	[sflag:s12] =	ssyncset.done @!p0 $0x0  }
0x16: {  	[sflag:s12] =	ssyncadd.s32 @!p0 $0xFFFFFF80  }
.LBB2_1:
.Ltmp2:
0x17: {  	(pc) =	sbr.rel @p1 .LBB2_5-.Ltmp2, $3  }
0x18: {  	s12 =	simm.s32 @!p0 $0x0  }
0x19: {  	[smem:$0x0] =	sst @!p0 s12  }
0x1a: {  	[bflag:$0x0] =	sbarrier.arrive $0xFFFF;
	_ =	sdelay $0x1  }
0x1b: {  	[tilespmem:s6], [sflag:$0x2] =	stream.linear.gather [hbm4b:s4+s6], $0x1000, $0x38;
	[tilespmem:$0x2200] =	vst v63  }
0x1c: {  	_ =	swait.ge [sflag:s7], $0x1000  }
0x1d: {  	[sflag:s7] =	ssyncset.done $0x0  }
0x1e: {  	[sflag:s7] =	ssyncadd.s32 $0xFFFFF000  }
0x1f: {  	[tilespmem:s8], [sflag:$0x2] =	stream.linear.gather [hbm4b:s1+s6], $0x1000, $0x38;
	[tilespmem:$0x2200] =	vst v63  }
0x20: {  	_ =	swait.ge [sflag:s7], $0x1000  }
0x21: {  	[sflag:s7] =	ssyncset.done $0x0  }
0x22: {  	[sflag:s7] =	ssyncadd.s32 $0xFFFFF000  }
0x23: {  	[tilespmem:$0x2000] =	vst v2  }
0x24: {  	[tilespmem:$0x2010] =	vst v2  }
0x25: {  	[tilespmem:$0x2020] =	vst v2  }
0x26: {  	[tilespmem:$0x2030] =	vst v2  }
0x27: {  	[tilespmem:$0x2040] =	vst v2  }
0x28: {  	[tilespmem:$0x2050] =	vst v2  }
0x29: {  	[tilespmem:$0x2060] =	vst v2  }
0x2a: {  	[tilespmem:$0x2070] =	vst v2  }
0x2b: {  	[tilespmem:$0x2080] =	vst v2  }
0x2c: {  	[tilespmem:$0x2090] =	vst v2  }
0x2d: {  	[tilespmem:$0x20A0] =	vst v2  }
0x2e: {  	[tilespmem:$0x20B0] =	vst v2  }
0x2f: {  	[tilespmem:$0x20C0] =	vst v2  }
0x30: {  	[tilespmem:$0x20D0] =	vst v2  }
0x31: {  	[tilespmem:$0x20E0] =	vst v2  }
0x32: {  	[tilespmem:$0x20F0] =	vst v2  }
0x33: {  	[tilespmem:$0x2100] =	vst v2  }
0x34: {  	[tilespmem:$0x2110] =	vst v2  }
0x35: {  	[tilespmem:$0x2120] =	vst v2  }
0x36: {  	s13 =	simm.s32 $0xFFFFFFFC;
	s14 =	simm.s32 $0x1020;
	s15 =	simm.s32 $0x20;
	[tilespmem:$0x2130] =	vst v2  }
.LBB2_3:
0x37: {  	v4 =	vld [tilespmem:s15+$0xFFFFFFE0]  }
0x38: {  	v5 =	vld [tilespmem:s14+$0xFFFFFFE0];
	_ =	sdelay $0x3  }
0x39: {  	vm0 =	vge.s32 v4, v0  }
0x3a: {  	vm1 =	vlt.s32 v4, v1;
	v5 =	vshll.u32 v5, $0x5;
	v4 =	vsub.s32 v4, v0  }
0x3b: {  	vm0 =	vmand vm0, vm1;
	v4 =	vadd.s32 v5, v4  }
0x3c: {  	v4 =	vnsel vm0, $0x0, v4;
	_ =	sdelay $0x4  }
0x3d: {  	[tilespmem:v4+s9+$0x0] =	vst.idx.add.s32.msk vm0, v3  }
0x3e: {  	v4 =	vld [tilespmem:s15+$0xFFFFFFF0]  }
0x3f: {  	v5 =	vld [tilespmem:s14+$0xFFFFFFF0];
	_ =	sdelay $0x3  }
0x40: {  	vm10 =	vge.s32 v4, v0  }
0x41: {  	vm11 =	vlt.s32 v4, v1;
	v5 =	vshll.u32 v5, $0x5;
	v4 =	vsub.s32 v4, v0  }
0x42: {  	vm0 =	vmand vm10, vm11;
	v4 =	vadd.s32 v5, v4  }
0x43: {  	v4 =	vnsel vm0, $0x0, v4;
	_ =	sdelay $0x4  }
0x44: {  	[tilespmem:v4+s9+$0x0] =	vst.idx.add.s32.msk vm0, v3  }
0x45: {  	v4 =	vld [tilespmem:s15+$0x0]  }
0x46: {  	v5 =	vld [tilespmem:s14+$0x0];
	_ =	sdelay $0x3  }
0x47: {  	vm12 =	vge.s32 v4, v0  }
0x48: {  	vm13 =	vlt.s32 v4, v1;
	v5 =	vshll.u32 v5, $0x5;
	v4 =	vsub.s32 v4, v0  }
0x49: {  	vm0 =	vmand vm12, vm13;
	v4 =	vadd.s32 v5, v4  }
0x4a: {  	v4 =	vnsel vm0, $0x0, v4;
	_ =	sdelay $0x4  }
0x4b: {  	[tilespmem:v4+s9+$0x0] =	vst.idx.add.s32.msk vm0, v3  }
0x4c: {  	v4 =	vld [tilespmem:s15+$0x10]  }
0x4d: {  	v5 =	vld [tilespmem:s14+$0x10];
	_ =	sdelay $0x3  }
0x4e: {  	vm14 =	vge.s32 v4, v0  }
0x4f: {  	vm15 =	vlt.s32 v4, v1;
	v5 =	vshll.u32 v5, $0x5;
	v4 =	vsub.s32 v4, v0  }
0x50: {  	s13 =	sadd.s32 $0x4, s13;
	vm0 =	vmand vm14, vm15;
	v4 =	vadd.s32 v5, v4  }
0x51: {  	p2 =	slt.u32 s13, $0xFC;
	v4 =	vnsel vm0, $0x0, v4  }
.Ltmp3:
0x52: {  	_ = 	snop;
	(pc) =	sbr.rel @p2 .LBB2_3-.Ltmp3, $2  }
0x53: {  	_ =	sdelay $0x2  }
0x54: {  	s14 =	sadd.s32 $0x40, s14;
	s15 =	sadd.s32 $0x40, s15;
	[tilespmem:v4+s9+$0x0] =	vst.idx.add.s32.msk vm0, v3  }
0x55: {  	v4 =	vld [tilespmem:$0x2000]  }
0x56: {  	v5 =	vld [tilespmem:$0x2020]  }
0x57: {  	v6 =	vld [tilespmem:$0x2010]  }
0x58: {  	v7 =	vld [tilespmem:$0x2030]  }
0x59: {  	v8 =	vld [tilespmem:$0x2040]  }
0x5a: {  	v9 =	vld [tilespmem:$0x2050]  }
0x5b: {  	v10 =	vld [tilespmem:$0x2060]  }
0x5c: {  	v11 =	vld [tilespmem:$0x2070]  }
0x5d: {  	v12 =	vld [tilespmem:$0x2080];
	vm0 =	vgt.s32 v4, v5;
	vm1 =	vgt.s32 v6, v7  }
0x5e: {  	v53 =	vld [tilespmem:$0x2090];
	v4 =	vsel vm0, v4, v5;
	v5 =	vsel vm1, v6, v7  }
0x5f: {  	v54 =	vld [tilespmem:$0x20A0];
	vm0 =	vgt.s32 v4, v8;
	vm1 =	vgt.s32 v5, v9  }
0x60: {  	v55 =	vld [tilespmem:$0x20B0];
	v4 =	vsel vm0, v4, v8;
	v5 =	vsel vm1, v5, v9  }
0x61: {  	v56 =	vld [tilespmem:$0x20C0];
	vm0 =	vgt.s32 v4, v10;
	vm1 =	vgt.s32 v5, v11  }
0x62: {  	v57 =	vld [tilespmem:$0x20D0];
	v4 =	vsel vm0, v4, v10;
	v5 =	vsel vm1, v5, v11  }
0x63: {  	v58 =	vld [tilespmem:$0x20E0];
	vm0 =	vgt.s32 v4, v12;
	vm1 =	vgt.s32 v5, v53  }
0x64: {  	v59 =	vld [tilespmem:$0x20F0];
	v4 =	vsel vm0, v4, v12;
	v5 =	vsel vm1, v5, v53  }
0x65: {  	v60 =	vld [tilespmem:$0x2100];
	vm0 =	vgt.s32 v4, v54;
	vm1 =	vgt.s32 v5, v55  }
0x66: {  	v61 =	vld [tilespmem:$0x2110];
	v4 =	vsel vm0, v4, v54;
	v5 =	vsel vm1, v5, v55  }
0x67: {  	v62 =	vld [tilespmem:$0x2120];
	vm0 =	vgt.s32 v4, v56;
	vm1 =	vgt.s32 v5, v57  }
0x68: {  	v63 =	vld [tilespmem:$0x2130];
	v4 =	vsel vm0, v4, v56;
	v5 =	vsel vm1, v5, v57  }
0x69: {  	vm0 =	vgt.s32 v4, v58;
	vm1 =	vgt.s32 v5, v59  }
0x6a: {  	v4 =	vsel vm0, v4, v58;
	v5 =	vsel vm1, v5, v59  }
0x6b: {  	vm0 =	vgt.s32 v4, v60;
	vm1 =	vgt.s32 v5, v61  }
0x6c: {  	v4 =	vsel vm0, v4, v60;
	v5 =	vsel vm1, v5, v61  }
0x6d: {  	vm0 =	vgt.s32 v4, v62;
	vm1 =	vgt.s32 v5, v63  }
0x6e: {  	v4 =	vsel vm0, v4, v62;
	v5 =	vsel vm1, v5, v63  }
0x6f: {  	vm0 =	vgt.s32 v4, $0x0;
	vm1 =	vgt.s32 v5, $0x0  }
0x70: {  	v4 =	vnsel vm0, $0x0, v4;
	v5 =	vnsel vm1, $0x0, v5  }
0x71: {  	v4 =	vadd.s32 v4, v5  }
0x72: {  	(xrf0) =	vadd.scan.msk.s32 $0xffff, v4;
	_ =	sdelay $0x5  }
0x73: {  	v4, _, _ =	vpop (xrf0)  }
0x74: {  	(v2sf) =	vpush v4, $0xF;
	_ =	sdelay $0xe  }
.Ltmp4:
0x75: {  	[sflag:s10] =	ssyncset.done $0x0;
	s13 =	spop (v2sf);
	(pc) =	sbr.rel .LBB2_5-.Ltmp4, $4  }
0x76: {  	[smem:s6], [sflag:$0x1] =	smem.add.s32 s13  }
0x77: {  	_ =	swait.done [sflag:s10]  }
0x78: {  	[sflag:s10] =	ssyncset.s32 $0x0  }
0x79: {  	[sflag:s10] =	ssyncset.done $0x0  }
.LBB2_6:
0x7a: {  	_ =	sfence.sel $0x180000  }
0x7b: {  	[bflag:$0x0] =	sbarrier.arrive $0xFFFF  }
0x7c: {  	p0 =	sne.s32 s3, $0x0;
	_ =	strace $0x90000047  }
0x7d: {  	s0 =	sadd.s32 @!p0 $0x100000, s0;
	[bflag:$0x2] =	sbarrier.arrive $0xFFFF  }
0x7e: {  	[sflag:s0] =	ssyncadd.tile.s32 @!p0 $0x1;
	_ =	shalt  }
.Lfunc_end2:
_tile_overlayer_lowered:
.L_overlay_start_2:
0x7f: {  	(tag) =	ssettag $0x2  }
0x80: {  	s0 =	rddreg [dreg:$0x0];
	s2 =	stileid.u32  }
0x81: {  	s1 =	rddreg [dreg:$0x1];
	p0 =	sne.s32 s2, $0x0  }
0x82: {  	s3 =	rddreg [dreg:$0x2];
	[bflag:$0x3] =	sbarrier.arrive $0xFFFF;
	s2 =	simm.s32 @!p0 $0x1C01  }
0x83: {  	[timem:s3], [sflag:s2] =	dma.local @!p0 [hbm:s0], s1  }
0x84: {  	s0 =	simm.s32 @!p0 $0x1  }
0x85: {  	_ =	swait.ge @!p0 [sflag:s0], s1  }
0x86: {  	s1 =	ssub.s32 @!p0 $0x0, s1;
	[sflag:s0] =	ssyncset.done @!p0 $0x0  }
0x87: {  	[sflag:s0] =	ssyncadd.s32 @!p0 s1  }
0x88: {  	[bflag:$0x3] =	sbarrier.arrive $0xFFFF  }
0x89: {  	_ =	shalt  }

</sc_bundles>
